<compile_context>
chip_gen: v7x
topology: tpu7x:2x2x1
jax: 0.10.2.dev20260603
libtpu: 0.0.44.dev20260713+nightly
codegen_flags: <defaults>
</compile_context>

<pallas_src>
import functools

import numpy as np
import jax
import jax.numpy as jnp
from jax import lax
from jax.experimental import pallas as pl
from jax.experimental.pallas import tpu as pltpu
from jax.experimental.pallas import tpu_sc as plsc

_NC = 2
_NS = 16
_NW = _NC * _NS

_keep_cache = {}


def _threefry_block(k0, k1, x0, x1):
    rot_a = (13, 15, 26, 6)
    rot_b = (17, 29, 16, 24)

    def rotl(x, r):
        r = np.uint32(r)
        return (x << r) | (x >> np.uint32(32 - r))

    with np.errstate(over="ignore"):
        ks0 = np.uint32(k0)
        ks1 = np.uint32(k1)
        ks2 = np.uint32(ks0 ^ ks1 ^ np.uint32(0x1BD11BDA))
        x0 = x0.astype(np.uint32) + ks0
        x1 = x1.astype(np.uint32) + ks1

        def round4(x0, x1, rots):
            for r in rots:
                x0 = x0 + x1
                x1 = rotl(x1, r)
                x1 = x1 ^ x0
            return x0, x1

        x0, x1 = round4(x0, x1, rot_a)
        x0 = x0 + ks1; x1 = x1 + ks2 + np.uint32(1)
        x0, x1 = round4(x0, x1, rot_b)
        x0 = x0 + ks2; x1 = x1 + ks0 + np.uint32(2)
        x0, x1 = round4(x0, x1, rot_a)
        x0 = x0 + ks0; x1 = x1 + ks1 + np.uint32(3)
        x0, x1 = round4(x0, x1, rot_b)
        x0 = x0 + ks1; x1 = x1 + ks2 + np.uint32(4)
        x0, x1 = round4(x0, x1, rot_a)
        x0 = x0 + ks2; x1 = x1 + ks0 + np.uint32(5)
    return x0, x1


def _np_permutation(seed: int, n: int) -> np.ndarray:
    k0, k1 = np.uint32(seed >> 32), np.uint32(seed & 0xFFFFFFFF)
    x = np.arange(n, dtype=np.int32)
    iota_hi = np.zeros(n, dtype=np.uint32)
    iota_lo = np.arange(n, dtype=np.uint32)
    two_hi = np.zeros(2, dtype=np.uint32)
    two_lo = np.arange(2, dtype=np.uint32)
    num_rounds = int(np.ceil(3 * np.log(max(1, n)) / np.log(2**32 - 1)))
    for _ in range(num_rounds):
        y0, y1 = _threefry_block(k0, k1, two_hi, two_lo)
        (k0, k1), (s0, s1) = (y0[0], y1[0]), (y0[1], y1[1])
        b0, b1 = _threefry_block(s0, s1, iota_hi, iota_lo)
        x = x[np.argsort(b0 ^ b1, kind="stable")]
    return x


def _keep_indices(num_edges: int) -> np.ndarray:
    if num_edges not in _keep_cache:
        perm = _np_permutation(42, num_edges)
        num_drops = int(0.5 * num_edges)
        _keep_cache[num_edges] = perm[num_drops:].astype(np.int32)
    return _keep_cache[num_edges]


def _make_gather(E: int, K: int, D: int, chunk: int):
    per_w = K // _NW
    n_chunks = per_w // chunk
    mesh = plsc.VectorSubcoreMesh(core_axis_name="c", subcore_axis_name="s",
                                  num_cores=_NC, num_subcores=_NS)

    @functools.partial(
        pl.kernel,
        mesh=mesh,
        out_type=tuple(
            jax.ShapeDtypeStruct((K,), jnp.int32) for _ in range(2)
        ) + tuple(
            jax.ShapeDtypeStruct((K,), jnp.float32) for _ in range(D)
        ),
        scratch_types=[
            pltpu.VMEM((chunk,), jnp.int32),
            pltpu.VMEM((chunk,), jnp.int32),
            pltpu.VMEM((chunk,), jnp.int32),
        ] + [
            pltpu.VMEM((chunk,), jnp.float32) for _ in range(D)
        ] + [
            pltpu.SemaphoreType.DMA,
        ],
        compiler_params=pltpu.CompilerParams(use_tc_tiling_on_sc=False),
    )
    def gather_kernel(*refs):
        nt = 2 + D
        tables = refs[:nt]
        keep_lo = refs[nt]
        outs = refs[nt + 1:2 * nt + 1]
        idx_v = refs[2 * nt + 1]
        vals = refs[2 * nt + 2:3 * nt + 2]
        sem = refs[-1]
        wid = lax.axis_index("s") * _NC + lax.axis_index("c")
        w_base = wid * per_w

        def body(c, carry):
            base = w_base + c * chunk
            pltpu.sync_copy(keep_lo.at[pl.ds(base, chunk)], idx_v)
            cps = [pltpu.async_copy(t.at[idx_v], v, sem)
                   for t, v in zip(tables, vals)]
            for cp in cps:
                cp.wait()
            for v, o in zip(vals, outs):
                pltpu.sync_copy(v, o.at[pl.ds(base, chunk)])
            return carry

        lax.fori_loop(0, n_chunks, body, 0)

    return gather_kernel


def kernel(edge_index, edge_attr):
    E = edge_index.shape[1]
    D = edge_attr.shape[1]
    K = E - int(0.5 * E)
    keep = _keep_indices(E)
    keep_lo = jnp.asarray(keep)

    chunk = 5000
    assert K % (_NW * chunk) == 0

    attr_t = edge_attr.T
    tables = [edge_index[0], edge_index[1]] + [attr_t[j] for j in range(D)]
    gather_kernel = _make_gather(E, K, D, chunk)
    outs = gather_kernel(*tables, keep_lo)
    new_edge_index = jnp.stack([outs[0], outs[1]])
    new_edge_attr = jnp.stack(outs[2:], axis=1)
    return new_edge_index, new_edge_attr

# --- scband reference (transcript-rebuilt; emitter-appended) ---
"""Pipeline reference for scband-drop-edge-18915035971734 (READ-ONLY COPY).

The authoritative reference and input builder live on the scoring server;
editing this copy changes nothing except your own understanding.
"""

import jax, jax.numpy as jnp
import numpy as np

P = 0.5

def setup_inputs(seed: int = 0) -> dict:
    key = jax.random.key(seed)
    k1, k2 = jax.random.split(key)
    n_nodes = 100000
    n_edges = 6400000
    edge_index = jax.random.randint(k1, (2, n_edges), 0, n_nodes, dtype=jnp.int64)
    edge_attr = jax.random.normal(k2, (n_edges, 4), dtype=jnp.float32)
    return {"edge_index": edge_index, "edge_attr": edge_attr}

def reference(edge_index, edge_attr):
    # DropEdge in training mode: remove a random p-fraction of edges.
    # Graph g is represented as (edge_index [2,E], edge_attr [E,d_edge]);
    # g.remove_edges(perm[:num_drops]) == keep edges at perm[num_drops:].
    num_edges = edge_index.shape[1]
    num_drops = int(P * num_edges)
    perm = jax.random.permutation(jax.random.key(42), num_edges)
    keep = perm[num_drops:]
    new_edge_index = jnp.take(edge_index, keep, axis=1)
    new_edge_attr = jnp.take(edge_attr, keep, axis=0)
    return new_edge_index, new_edge_attr

if __name__ == "__main__":
    import jax
    _d = setup_inputs()
    print(jax.jit(kernel)(*tuple(_d.values())))

</pallas_src>

<mosaic_0001>
#map = affine_map<(d0, d1) -> (0)>
module attributes {stable_mosaic.version = 14 : i64} {
  func.func @gather_kernel(%arg0: i32, %arg1: i32, %arg2: memref<6400000xi32, #tpu.memory_space<hbm>>, %arg3: memref<6400000xi32, #tpu.memory_space<hbm>>, %arg4: memref<6400000xf32, #tpu.memory_space<hbm>>, %arg5: memref<6400000xf32, #tpu.memory_space<hbm>>, %arg6: memref<6400000xf32, #tpu.memory_space<hbm>>, %arg7: memref<6400000xf32, #tpu.memory_space<hbm>>, %arg8: memref<3200000xi32, #tpu.memory_space<hbm>>, %arg9: memref<3200000xi32, #tpu.memory_space<hbm>>, %arg10: memref<3200000xi32, #tpu.memory_space<hbm>>, %arg11: memref<3200000xf32, #tpu.memory_space<hbm>>, %arg12: memref<3200000xf32, #tpu.memory_space<hbm>>, %arg13: memref<3200000xf32, #tpu.memory_space<hbm>>, %arg14: memref<3200000xf32, #tpu.memory_space<hbm>>, %arg15: memref<5000xi32, #tpu.memory_space<vmem>>, %arg16: memref<5000xi32, #tpu.memory_space<vmem>>, %arg17: memref<5000xi32, #tpu.memory_space<vmem>>, %arg18: memref<5000xf32, #tpu.memory_space<vmem>>, %arg19: memref<5000xf32, #tpu.memory_space<vmem>>, %arg20: memref<5000xf32, #tpu.memory_space<vmem>>, %arg21: memref<5000xf32, #tpu.memory_space<vmem>>, %arg22: memref<!tpu.dma_semaphore, #tpu.memory_space<semaphore_mem>>) attributes {dimension_semantics = [#tpu.dimension_semantics<core_parallel>, #tpu.dimension_semantics<subcore_parallel>], iteration_bounds = array<i64: 2, 16>, scalar_prefetch = 0 : i64, scratch_operands = 8 : i64, tpu.core_type = #tpu.core_type<sc_vector_subcore>, window_params = [{transform_indices = #map}, {transform_indices = #map}, {transform_indices = #map}, {transform_indices = #map}, {transform_indices = #map}, {transform_indices = #map}, {transform_indices = #map}, {transform_indices = #map}, {transform_indices = #map}, {transform_indices = #map}, {transform_indices = #map}, {transform_indices = #map}, {transform_indices = #map}]} {
    %mul3A = arith.constant 2 : i32
    %mul3A_0 = arith.muli %arg1, %mul3A : i32
    %add3A = arith.addi %mul3A_0, %arg0 : i32
    %mul3A_1 = arith.constant 100000 : i32
    %mul3A_2 = arith.muli %add3A, %mul3A_1 : i32
    %scan3A = arith.constant 0 : i32
    %scan3A_3 = arith.constant 0 : i32
    %scan3A_4 = arith.constant 20 : i32
    %scan3A_5 = arith.addi %scan3A_3, %scan3A_4 : i32
    %scan3A_6 = arith.constant 1 : i32
    scf.for %scan3A_8 = %scan3A_3 to %scan3A_5 step %scan3A_6  : i32 {
      %mul3A_9 = arith.constant 5000 : i32
      %mul3A_10 = arith.muli %scan3A_8, %mul3A_9 : i32
      %add3A_11 = arith.addi %mul3A_2, %mul3A_10 : i32
      "tpu.region"() ({
        %run_scoped3A = tpu.sem_alloc : memref<!tpu.dma_semaphore, #tpu.memory_space<semaphore_mem>>
        %dma_start3A_34 = tpu.memref_slice %arg8[%add3A_11] : memref<3200000xi32, #tpu.memory_space<hbm>> -> memref<5000xi32, #tpu.memory_space<hbm>>
        %dma_start3A_35 = tpu.memref_slice %arg8[%add3A_11] : memref<3200000xi32, #tpu.memory_space<hbm>> -> memref<5000xi32, #tpu.memory_space<hbm>>
        tpu.enqueue_dma source(%dma_start3A_35 : memref<5000xi32, #tpu.memory_space<hbm>>) target(%arg15 : memref<5000xi32, #tpu.memory_space<vmem>>) target_semaphore(%run_scoped3A : memref<!tpu.dma_semaphore, #tpu.memory_space<semaphore_mem>>)
        %dma_wait3A_36 = tpu.memref_slice %arg8[%add3A_11] : memref<3200000xi32, #tpu.memory_space<hbm>> -> memref<5000xi32, #tpu.memory_space<hbm>>
        %dma_wait3A_37 = tpu.memref_slice %arg8[%add3A_11] : memref<3200000xi32, #tpu.memory_space<hbm>> -> memref<5000xi32, #tpu.memory_space<hbm>>
        tpu.wait_dma2 semaphore(%run_scoped3A : memref<!tpu.dma_semaphore, #tpu.memory_space<semaphore_mem>>) src(%dma_wait3A_37 : memref<5000xi32, #tpu.memory_space<hbm>>) dst(%arg15 : memref<5000xi32, #tpu.memory_space<vmem>>)
        tpu.yield
      }) : () -> ()
      %dma_start3A = arith.constant 0 : i32
      %dma_start3A_12 = tpu.memref_slice %arg2[%dma_start3A] : memref<6400000xi32, #tpu.memory_space<hbm>> -> memref<6400000xi32, #tpu.memory_space<hbm>>
      tpu.enqueue_indirect_dma source(%dma_start3A_12 : memref<6400000xi32, #tpu.memory_space<hbm>>) target(%arg16 : memref<5000xi32, #tpu.memory_space<vmem>>) offsets(%arg15 : memref<5000xi32, #tpu.memory_space<vmem>>) semaphore(%arg22 : memref<!tpu.dma_semaphore, #tpu.memory_space<semaphore_mem>>)
      %dma_start3A_13 = arith.constant 0 : i32
      %dma_start3A_14 = tpu.memref_slice %arg3[%dma_start3A_13] : memref<6400000xi32, #tpu.memory_space<hbm>> -> memref<6400000xi32, #tpu.memory_space<hbm>>
      tpu.enqueue_indirect_dma source(%dma_start3A_14 : memref<6400000xi32, #tpu.memory_space<hbm>>) target(%arg17 : memref<5000xi32, #tpu.memory_space<vmem>>) offsets(%arg15 : memref<5000xi32, #tpu.memory_space<vmem>>) semaphore(%arg22 : memref<!tpu.dma_semaphore, #tpu.memory_space<semaphore_mem>>)
      %dma_start3A_15 = arith.constant 0 : i32
      %dma_start3A_16 = tpu.memref_slice %arg4[%dma_start3A_15] : memref<6400000xf32, #tpu.memory_space<hbm>> -> memref<6400000xf32, #tpu.memory_space<hbm>>
      tpu.enqueue_indirect_dma source(%dma_start3A_16 : memref<6400000xf32, #tpu.memory_space<hbm>>) target(%arg18 : memref<5000xf32, #tpu.memory_space<vmem>>) offsets(%arg15 : memref<5000xi32, #tpu.memory_space<vmem>>) semaphore(%arg22 : memref<!tpu.dma_semaphore, #tpu.memory_space<semaphore_mem>>)
      %dma_start3A_17 = arith.constant 0 : i32
      %dma_start3A_18 = tpu.memref_slice %arg5[%dma_start3A_17] : memref<6400000xf32, #tpu.memory_space<hbm>> -> memref<6400000xf32, #tpu.memory_space<hbm>>
      tpu.enqueue_indirect_dma source(%dma_start3A_18 : memref<6400000xf32, #tpu.memory_space<hbm>>) target(%arg19 : memref<5000xf32, #tpu.memory_space<vmem>>) offsets(%arg15 : memref<5000xi32, #tpu.memory_space<vmem>>) semaphore(%arg22 : memref<!tpu.dma_semaphore, #tpu.memory_space<semaphore_mem>>)
      %dma_start3A_19 = arith.constant 0 : i32
      %dma_start3A_20 = tpu.memref_slice %arg6[%dma_start3A_19] : memref<6400000xf32, #tpu.memory_space<hbm>> -> memref<6400000xf32, #tpu.memory_space<hbm>>
      tpu.enqueue_indirect_dma source(%dma_start3A_20 : memref<6400000xf32, #tpu.memory_space<hbm>>) target(%arg20 : memref<5000xf32, #tpu.memory_space<vmem>>) offsets(%arg15 : memref<5000xi32, #tpu.memory_space<vmem>>) semaphore(%arg22 : memref<!tpu.dma_semaphore, #tpu.memory_space<semaphore_mem>>)
      %dma_start3A_21 = arith.constant 0 : i32
      %dma_start3A_22 = tpu.memref_slice %arg7[%dma_start3A_21] : memref<6400000xf32, #tpu.memory_space<hbm>> -> memref<6400000xf32, #tpu.memory_space<hbm>>
      tpu.enqueue_indirect_dma source(%dma_start3A_22 : memref<6400000xf32, #tpu.memory_space<hbm>>) target(%arg21 : memref<5000xf32, #tpu.memory_space<vmem>>) offsets(%arg15 : memref<5000xi32, #tpu.memory_space<vmem>>) semaphore(%arg22 : memref<!tpu.dma_semaphore, #tpu.memory_space<semaphore_mem>>)
      %dma_wait3A = arith.constant 0 : i32
      %dma_wait3A_23 = tpu.memref_slice %arg2[%dma_wait3A] : memref<6400000xi32, #tpu.memory_space<hbm>> -> memref<6400000xi32, #tpu.memory_space<hbm>>
      tpu.wait_indirect_dma semaphore(%arg22 : memref<!tpu.dma_semaphore, #tpu.memory_space<semaphore_mem>>) src(%dma_wait3A_23 : memref<6400000xi32, #tpu.memory_space<hbm>>) dst(%arg16 : memref<5000xi32, #tpu.memory_space<vmem>>)
      %dma_wait3A_24 = arith.constant 0 : i32
      %dma_wait3A_25 = tpu.memref_slice %arg3[%dma_wait3A_24] : memref<6400000xi32, #tpu.memory_space<hbm>> -> memref<6400000xi32, #tpu.memory_space<hbm>>
      tpu.wait_indirect_dma semaphore(%arg22 : memref<!tpu.dma_semaphore, #tpu.memory_space<semaphore_mem>>) src(%dma_wait3A_25 : memref<6400000xi32, #tpu.memory_space<hbm>>) dst(%arg17 : memref<5000xi32, #tpu.memory_space<vmem>>)
      %dma_wait3A_26 = arith.constant 0 : i32
      %dma_wait3A_27 = tpu.memref_slice %arg4[%dma_wait3A_26] : memref<6400000xf32, #tpu.memory_space<hbm>> -> memref<6400000xf32, #tpu.memory_space<hbm>>
      tpu.wait_indirect_dma semaphore(%arg22 : memref<!tpu.dma_semaphore, #tpu.memory_space<semaphore_mem>>) src(%dma_wait3A_27 : memref<6400000xf32, #tpu.memory_space<hbm>>) dst(%arg18 : memref<5000xf32, #tpu.memory_space<vmem>>)
      %dma_wait3A_28 = arith.constant 0 : i32
      %dma_wait3A_29 = tpu.memref_slice %arg5[%dma_wait3A_28] : memref<6400000xf32, #tpu.memory_space<hbm>> -> memref<6400000xf32, #tpu.memory_space<hbm>>
      tpu.wait_indirect_dma semaphore(%arg22 : memref<!tpu.dma_semaphore, #tpu.memory_space<semaphore_mem>>) src(%dma_wait3A_29 : memref<6400000xf32, #tpu.memory_space<hbm>>) dst(%arg19 : memref<5000xf32, #tpu.memory_space<vmem>>)
      %dma_wait3A_30 = arith.constant 0 : i32
      %dma_wait3A_31 = tpu.memref_slice %arg6[%dma_wait3A_30] : memref<6400000xf32, #tpu.memory_space<hbm>> -> memref<6400000xf32, #tpu.memory_space<hbm>>
      tpu.wait_indirect_dma semaphore(%arg22 : memref<!tpu.dma_semaphore, #tpu.memory_space<semaphore_mem>>) src(%dma_wait3A_31 : memref<6400000xf32, #tpu.memory_space<hbm>>) dst(%arg20 : memref<5000xf32, #tpu.memory_space<vmem>>)
      %dma_wait3A_32 = arith.constant 0 : i32
      %dma_wait3A_33 = tpu.memref_slice %arg7[%dma_wait3A_32] : memref<6400000xf32, #tpu.memory_space<hbm>> -> memref<6400000xf32, #tpu.memory_space<hbm>>
      tpu.wait_indirect_dma semaphore(%arg22 : memref<!tpu.dma_semaphore, #tpu.memory_space<semaphore_mem>>) src(%dma_wait3A_33 : memref<6400000xf32, #tpu.memory_space<hbm>>) dst(%arg21 : memref<5000xf32, #tpu.memory_space<vmem>>)
      "tpu.region"() ({
        %run_scoped3A = tpu.sem_alloc : memref<!tpu.dma_semaphore, #tpu.memory_space<semaphore_mem>>
        %dma_start3A_34 = tpu.memref_slice %arg9[%add3A_11] : memref<3200000xi32, #tpu.memory_space<hbm>> -> memref<5000xi32, #tpu.memory_space<hbm>>
        %dma_start3A_35 = tpu.memref_slice %arg9[%add3A_11] : memref<3200000xi32, #tpu.memory_space<hbm>> -> memref<5000xi32, #tpu.memory_space<hbm>>
        tpu.enqueue_dma source(%arg16 : memref<5000xi32, #tpu.memory_space<vmem>>) target(%dma_start3A_35 : memref<5000xi32, #tpu.memory_space<hbm>>) target_semaphore(%run_scoped3A : memref<!tpu.dma_semaphore, #tpu.memory_space<semaphore_mem>>)
        %dma_wait3A_36 = tpu.memref_slice %arg9[%add3A_11] : memref<3200000xi32, #tpu.memory_space<hbm>> -> memref<5000xi32, #tpu.memory_space<hbm>>
        %dma_wait3A_37 = tpu.memref_slice %arg9[%add3A_11] : memref<3200000xi32, #tpu.memory_space<hbm>> -> memref<5000xi32, #tpu.memory_space<hbm>>
        tpu.wait_dma2 semaphore(%run_scoped3A : memref<!tpu.dma_semaphore, #tpu.memory_space<semaphore_mem>>) src(%arg16 : memref<5000xi32, #tpu.memory_space<vmem>>) dst(%dma_wait3A_37 : memref<5000xi32, #tpu.memory_space<hbm>>)
        tpu.yield
      }) : () -> ()
      "tpu.region"() ({
        %run_scoped3A = tpu.sem_alloc : memref<!tpu.dma_semaphore, #tpu.memory_space<semaphore_mem>>
        %dma_start3A_34 = tpu.memref_slice %arg10[%add3A_11] : memref<3200000xi32, #tpu.memory_space<hbm>> -> memref<5000xi32, #tpu.memory_space<hbm>>
        %dma_start3A_35 = tpu.memref_slice %arg10[%add3A_11] : memref<3200000xi32, #tpu.memory_space<hbm>> -> memref<5000xi32, #tpu.memory_space<hbm>>
        tpu.enqueue_dma source(%arg17 : memref<5000xi32, #tpu.memory_space<vmem>>) target(%dma_start3A_35 : memref<5000xi32, #tpu.memory_space<hbm>>) target_semaphore(%run_scoped3A : memref<!tpu.dma_semaphore, #tpu.memory_space<semaphore_mem>>)
        %dma_wait3A_36 = tpu.memref_slice %arg10[%add3A_11] : memref<3200000xi32, #tpu.memory_space<hbm>> -> memref<5000xi32, #tpu.memory_space<hbm>>
        %dma_wait3A_37 = tpu.memref_slice %arg10[%add3A_11] : memref<3200000xi32, #tpu.memory_space<hbm>> -> memref<5000xi32, #tpu.memory_space<hbm>>
        tpu.wait_dma2 semaphore(%run_scoped3A : memref<!tpu.dma_semaphore, #tpu.memory_space<semaphore_mem>>) src(%arg17 : memref<5000xi32, #tpu.memory_space<vmem>>) dst(%dma_wait3A_37 : memref<5000xi32, #tpu.memory_space<hbm>>)
        tpu.yield
      }) : () -> ()
      "tpu.region"() ({
        %run_scoped3A = tpu.sem_alloc : memref<!tpu.dma_semaphore, #tpu.memory_space<semaphore_mem>>
        %dma_start3A_34 = tpu.memref_slice %arg11[%add3A_11] : memref<3200000xf32, #tpu.memory_space<hbm>> -> memref<5000xf32, #tpu.memory_space<hbm>>
        %dma_start3A_35 = tpu.memref_slice %arg11[%add3A_11] : memref<3200000xf32, #tpu.memory_space<hbm>> -> memref<5000xf32, #tpu.memory_space<hbm>>
        tpu.enqueue_dma source(%arg18 : memref<5000xf32, #tpu.memory_space<vmem>>) target(%dma_start3A_35 : memref<5000xf32, #tpu.memory_space<hbm>>) target_semaphore(%run_scoped3A : memref<!tpu.dma_semaphore, #tpu.memory_space<semaphore_mem>>)
        %dma_wait3A_36 = tpu.memref_slice %arg11[%add3A_11] : memref<3200000xf32, #tpu.memory_space<hbm>> -> memref<5000xf32, #tpu.memory_space<hbm>>
        %dma_wait3A_37 = tpu.memref_slice %arg11[%add3A_11] : memref<3200000xf32, #tpu.memory_space<hbm>> -> memref<5000xf32, #tpu.memory_space<hbm>>
        tpu.wait_dma2 semaphore(%run_scoped3A : memref<!tpu.dma_semaphore, #tpu.memory_space<semaphore_mem>>) src(%arg18 : memref<5000xf32, #tpu.memory_space<vmem>>) dst(%dma_wait3A_37 : memref<5000xf32, #tpu.memory_space<hbm>>)
        tpu.yield
      }) : () -> ()
      "tpu.region"() ({
        %run_scoped3A = tpu.sem_alloc : memref<!tpu.dma_semaphore, #tpu.memory_space<semaphore_mem>>
        %dma_start3A_34 = tpu.memref_slice %arg12[%add3A_11] : memref<3200000xf32, #tpu.memory_space<hbm>> -> memref<5000xf32, #tpu.memory_space<hbm>>
        %dma_start3A_35 = tpu.memref_slice %arg12[%add3A_11] : memref<3200000xf32, #tpu.memory_space<hbm>> -> memref<5000xf32, #tpu.memory_space<hbm>>
        tpu.enqueue_dma source(%arg19 : memref<5000xf32, #tpu.memory_space<vmem>>) target(%dma_start3A_35 : memref<5000xf32, #tpu.memory_space<hbm>>) target_semaphore(%run_scoped3A : memref<!tpu.dma_semaphore, #tpu.memory_space<semaphore_mem>>)
        %dma_wait3A_36 = tpu.memref_slice %arg12[%add3A_11] : memref<3200000xf32, #tpu.memory_space<hbm>> -> memref<5000xf32, #tpu.memory_space<hbm>>
        %dma_wait3A_37 = tpu.memref_slice %arg12[%add3A_11] : memref<3200000xf32, #tpu.memory_space<hbm>> -> memref<5000xf32, #tpu.memory_space<hbm>>
        tpu.wait_dma2 semaphore(%run_scoped3A : memref<!tpu.dma_semaphore, #tpu.memory_space<semaphore_mem>>) src(%arg19 : memref<5000xf32, #tpu.memory_space<vmem>>) dst(%dma_wait3A_37 : memref<5000xf32, #tpu.memory_space<hbm>>)
        tpu.yield
      }) : () -> ()
      "tpu.region"() ({
        %run_scoped3A = tpu.sem_alloc : memref<!tpu.dma_semaphore, #tpu.memory_space<semaphore_mem>>
        %dma_start3A_34 = tpu.memref_slice %arg13[%add3A_11] : memref<3200000xf32, #tpu.memory_space<hbm>> -> memref<5000xf32, #tpu.memory_space<hbm>>
        %dma_start3A_35 = tpu.memref_slice %arg13[%add3A_11] : memref<3200000xf32, #tpu.memory_space<hbm>> -> memref<5000xf32, #tpu.memory_space<hbm>>
        tpu.enqueue_dma source(%arg20 : memref<5000xf32, #tpu.memory_space<vmem>>) target(%dma_start3A_35 : memref<5000xf32, #tpu.memory_space<hbm>>) target_semaphore(%run_scoped3A : memref<!tpu.dma_semaphore, #tpu.memory_space<semaphore_mem>>)
        %dma_wait3A_36 = tpu.memref_slice %arg13[%add3A_11] : memref<3200000xf32, #tpu.memory_space<hbm>> -> memref<5000xf32, #tpu.memory_space<hbm>>
        %dma_wait3A_37 = tpu.memref_slice %arg13[%add3A_11] : memref<3200000xf32, #tpu.memory_space<hbm>> -> memref<5000xf32, #tpu.memory_space<hbm>>
        tpu.wait_dma2 semaphore(%run_scoped3A : memref<!tpu.dma_semaphore, #tpu.memory_space<semaphore_mem>>) src(%arg20 : memref<5000xf32, #tpu.memory_space<vmem>>) dst(%dma_wait3A_37 : memref<5000xf32, #tpu.memory_space<hbm>>)
        tpu.yield
      }) : () -> ()
      "tpu.region"() ({
        %run_scoped3A = tpu.sem_alloc : memref<!tpu.dma_semaphore, #tpu.memory_space<semaphore_mem>>
        %dma_start3A_34 = tpu.memref_slice %arg14[%add3A_11] : memref<3200000xf32, #tpu.memory_space<hbm>> -> memref<5000xf32, #tpu.memory_space<hbm>>
        %dma_start3A_35 = tpu.memref_slice %arg14[%add3A_11] : memref<3200000xf32, #tpu.memory_space<hbm>> -> memref<5000xf32, #tpu.memory_space<hbm>>
        tpu.enqueue_dma source(%arg21 : memref<5000xf32, #tpu.memory_space<vmem>>) target(%dma_start3A_35 : memref<5000xf32, #tpu.memory_space<hbm>>) target_semaphore(%run_scoped3A : memref<!tpu.dma_semaphore, #tpu.memory_space<semaphore_mem>>)
        %dma_wait3A_36 = tpu.memref_slice %arg14[%add3A_11] : memref<3200000xf32, #tpu.memory_space<hbm>> -> memref<5000xf32, #tpu.memory_space<hbm>>
        %dma_wait3A_37 = tpu.memref_slice %arg14[%add3A_11] : memref<3200000xf32, #tpu.memory_space<hbm>> -> memref<5000xf32, #tpu.memory_space<hbm>>
        tpu.wait_dma2 semaphore(%run_scoped3A : memref<!tpu.dma_semaphore, #tpu.memory_space<semaphore_mem>>) src(%arg21 : memref<5000xf32, #tpu.memory_space<vmem>>) dst(%dma_wait3A_37 : memref<5000xf32, #tpu.memory_space<hbm>>)
        tpu.yield
      }) : () -> ()
    }
    %scan3A_7 = arith.constant 20 : i32
    return
  }
}

</mosaic_0001>

<sc_bundles>
// kernel: kernel.3.cloned.1.call-start
scs
__scs_entry_jumppad:
0x0: {  	(pc) =	sbr.rel $0x88, $3  }
0x1: {  	(tag) =	ssettag $0x0;
	lr =	simm.s32 $0x1  }
0x2: {  	[smem:$0x3F9F] =	sst lr;
	_ =	strace $0xD0000000  }
0x3: {  	_ = 	snop  }
0x4: {  	_ = 	snop  }
0x5: {  	_ = 	snop  }
0x6: {  	_ = 	snop  }
0x7: {  	_ = 	snop  }
__scs_overlays_trampoline_lowered:
0x8: {  	[smem:$0x3FAE] =	sst s0  }
0x9: {  	[smem:$0x3FAF] =	sst s1  }
0xa: {  	[smem:$0x3FB0] =	sst s2  }
0xb: {  	[smem:$0x3FB1] =	sst s3  }
0xc: {  	[smem:$0x3FB2] =	sst s4  }
0xd: {  	[smem:$0x3FB3] =	sst s5  }
0xe: {  	[smem:$0x3FB4] =	sst s6  }
0xf: {  	[smem:$0x3FB5] =	sst s7  }
0x10: {  	[smem:$0x3FB6] =	sst s8  }
0x11: {  	[smem:$0x3FB7] =	sst s9;
	s0 =	simm.s32 @!p0 $0x0  }
0x12: {  	s1 =	sld [smem:$0x3F9D];
	s0 =	simm.s32 @p0 $0x1  }
0x13: {  	[smem:$0x3FB8] =	sst s0;
	s0 =	simm.s32 @!p1 $0x0  }
0x14: {  	s2 =	sld [smem:$0x3F9C];
	s0 =	simm.s32 @p1 $0x1  }
0x15: {  	[smem:$0x3FB9] =	sst s0;
	s0 =	simm.s32 @!p2 $0x0  }
0x16: {  	s3 =	sld [smem:$0x3FDB];
	s0 =	simm.s32 @p2 $0x1  }
0x17: {  	s4 =	simm.s32 $0x1BF5;
	[smem:$0x3FBB] =	sst s0  }
0x18: {  	s0 =	sld [smem:$0x3F9E];
	_ =	swait.ge [sflag:s4], $0x0  }
0x19: {  	s7 =	sld [smem:$0x3F9F]  }
0x1a: {  	s8 =	sadd.s32 $0xFFFFE003, lr  }
0x1b: {  	s9 =	sadd.s32 $0xFFFFFEF7, lr;
	s5 =	simm.s32 $0xFFFFFFFF;
	p2 =	slt.u32 s8, $0xFFFFF086  }
0x1c: {  	p1 =	slt.u32 s9, $0xF7A;
	s5 =	simm.s32 @!p2 $0x0  }
0x1d: {  	s5 =	simm.s32 @p1 $0x1;
	p0 =	seq.s32 s7, s2  }
0x1e: {  	s7 =	smul.u32 @!p0 $0xF7A, s2;
	p2 =	seq.s32 @!p0 s5, $0x0  }
0x1f: {  	s9 =	smul.u32 $0xF7A, s1;
	s8 =	simm.s32 @!p0 $0x1BF5;
	p2 =	por !p2, p0  }
0x20: {  	[sflag:s8] =	ssyncset.s32 @!p0 $0xFFFFF086;
	s6 =	sadd.s32 @!p0 s3, s7;
	s7 =	simm.s32 @!p0 $0x108  }
0x21: {  	s3 =	sadd.s32 s3, s9;
	s6 =	sadd.s32 @!p0 $0x88, s6;
	s7 =	simm.s32 @p2 $0x1082  }
0x22: {  	[simem:s7], [sflag:s8] =	dma.local @!p0 [hbm:s6], $0xF7A  }
0x23: {  	s9 =	sor.u32 $0xD0000000, s2;
	s6 =	simm.s32 $0x108;
	_ =	swait.ge @!p0 [sflag:s8], $0x0  }
0x24: {  	s3 =	sadd.s32 $0x88, s3;
	s6 =	simm.s32 @!p1 $0x1082;
	[sflag:s4] =	ssyncset.s32 $0xFFFFF086  }
0x25: {  	[simem:s6], [sflag:s4] =	dma.local [hbm:s3], $0xF7A  }
0x26: {  	[smem:$0x3F9F] =	sst s1;
	(tag) =	ssettag s2;
	_ =	strace s9  }
0x27: {  	s1 =	sld [smem:$0x3FAF]  }
0x28: {  	s2 =	sld [smem:$0x3FB0]  }
0x29: {  	s4 =	sld [smem:$0x3FB2]  }
0x2a: {  	p0 =	seq.s32 s5, $0x0;
	s5 =	sld [smem:$0x3FB3]  }
0x2b: {  	s6 =	sld [smem:$0x3FB4]  }
0x2c: {  	s7 =	sld [smem:$0x3FB5]  }
0x2d: {  	s3 =	simm.s32 $0x108;
	s8 =	sld [smem:$0x3FB6]  }
0x2e: {  	s3 =	simm.s32 @!p0 $0x1082;
	s9 =	sld [smem:$0x3FB7]  }
0x2f: {  	lr =	sadd.s32 s0, s3;
	s0 =	sld [smem:$0x3FAE]  }
0x30: {  	s3 =	sld [smem:$0x3FB1]  }
0x31: {  	[smem:$0x3FBA] =	sst s10  }
0x32: {  	s10 =	sld [smem:$0x3FB8];
	_ =	sdelay $0x3  }
0x33: {  	p0 =	seq.s32 s10, $0x1;
	s10 =	sld [smem:$0x3FBA];
	_ =	sdelay $0x3  }
0x34: {  	[smem:$0x3FBA] =	sst s10  }
0x35: {  	s10 =	sld [smem:$0x3FB9];
	_ =	sdelay $0x3  }
0x36: {  	p1 =	seq.s32 s10, $0x1;
	s10 =	sld [smem:$0x3FBA];
	_ =	sdelay $0x3  }
0x37: {  	[smem:$0x3FBA] =	sst s10  }
0x38: {  	s10 =	sld [smem:$0x3FBB]  }
0x39: {  	_ = 	snop;
	(pc) =	sbr.ind lr, $3  }
0x3a: {  	_ = 	snop  }
0x3b: {  	_ = 	snop  }
0x3c: {  	p2 =	seq.s32 s10, $0x1;
	s10 =	sld [smem:$0x3FBA]  }
0x3d: {  	_ =	shalt  }
0x3e: {  	_ =	shalt  }
0x3f: {  	_ =	shalt  }
0x40: {  	_ =	shalt  }
0x41: {  	_ =	shalt  }
0x42: {  	_ =	shalt  }
0x43: {  	_ =	shalt  }
0x44: {  	_ =	shalt  }
0x45: {  	_ =	shalt  }
0x46: {  	_ =	shalt  }
0x47: {  	_ =	shalt  }
0x48: {  	_ =	shalt  }
0x49: {  	_ =	shalt  }
0x4a: {  	_ =	shalt  }
0x4b: {  	_ =	shalt  }
0x4c: {  	_ =	shalt  }
0x4d: {  	_ =	shalt  }
0x4e: {  	_ =	shalt  }
0x4f: {  	_ =	shalt  }
0x50: {  	_ =	shalt  }
0x51: {  	_ =	shalt  }
0x52: {  	_ =	shalt  }
0x53: {  	_ =	shalt  }
0x54: {  	_ =	shalt  }
0x55: {  	_ =	shalt  }
0x56: {  	_ =	shalt  }
0x57: {  	_ =	shalt  }
0x58: {  	_ =	shalt  }
0x59: {  	_ =	shalt  }
0x5a: {  	_ =	shalt  }
0x5b: {  	_ =	shalt  }
0x5c: {  	_ =	shalt  }
0x5d: {  	_ =	shalt  }
0x5e: {  	_ =	shalt  }
0x5f: {  	_ =	shalt  }
0x60: {  	_ =	shalt  }
0x61: {  	_ =	shalt  }
0x62: {  	_ =	shalt  }
0x63: {  	_ =	shalt  }
0x64: {  	_ =	shalt  }
0x65: {  	_ =	shalt  }
0x66: {  	_ =	shalt  }
0x67: {  	_ =	shalt  }
0x68: {  	_ =	shalt  }
0x69: {  	_ =	shalt  }
0x6a: {  	_ =	shalt  }
0x6b: {  	_ =	shalt  }
0x6c: {  	_ =	shalt  }
0x6d: {  	_ =	shalt  }
0x6e: {  	_ =	shalt  }
0x6f: {  	_ =	shalt  }
0x70: {  	_ =	shalt  }
0x71: {  	_ =	shalt  }
0x72: {  	_ =	shalt  }
0x73: {  	_ =	shalt  }
0x74: {  	_ =	shalt  }
0x75: {  	_ =	shalt  }
0x76: {  	_ =	shalt  }
0x77: {  	_ =	shalt  }
0x78: {  	_ =	shalt  }
0x79: {  	_ =	shalt  }
0x7a: {  	_ =	shalt  }
0x7b: {  	_ =	shalt  }
0x7c: {  	_ =	shalt  }
0x7d: {  	_ =	shalt  }
0x7e: {  	_ =	shalt  }
0x7f: {  	_ =	shalt  }
0x80: {  	_ =	shalt  }
0x81: {  	_ =	shalt  }
0x82: {  	_ =	shalt  }
0x83: {  	_ =	shalt  }
0x84: {  	_ =	shalt  }
0x85: {  	_ =	shalt  }
0x86: {  	_ =	shalt  }
0x87: {  	_ =	shalt  }
.Lfunc_end0:
.L_simem_size_0:
called_computation_lowered:
.L_overlay_start_0:
0x88: {  	s2 =	sld [smem:$0x3FD9]  }
0x89: {  	s3 =	sld [smem:$0x3FFE];
	_ =	sdelay $0x1  }
0x8a: {  	s1 =	srdreg.scid  }
0x8b: {  	s0 =	sand.u32 $0x1, s1  }
0x8c: {  	s14 =	sshll.u32 s0, $0xA;
	s2 =	sadd.s32 s3, s2  }
0x8d: {  	s2 =	sadd.s32 s2, s14  }
0x8e: {  	[smem:$0x3FC6] =	sst s2  }
0x8f: {  	_ = 	snop  }
0x90: {  	s2 =	sld [smem:$0x3FD0];
	_ =	sdelay $0x2  }
0x91: {  	s15 =	simm.s32 $0xA;
	s4 =	simm.s32 $0x10  }
0x92: {  	[smem:s4], [sflag:s15] =	dma.local [hbm:s2], $0x1  }
0x93: {  	_ =	swait.eq [sflag:s15], $0x1  }
0x94: {  	[sflag:s15] =	ssyncset.done $0x0  }
0x95: {  	s16 =	sld [smem:$0x10];
	[sflag:s15] =	ssyncadd.s32 $0xFFFFFFFF  }
0x96: {  	s17 =	sld [smem:$0x11];
	(tm) =	ssettm $0x1  }
0x97: {  	s18 =	sld [smem:$0x3FFB];
	_ =	sdelay $0x3  }
0x98: {  	_ =	strace s18  }
0x99: {  	s4 =	sld [smem:$0x3FFC];
	_ =	sdelay $0x3  }
0x9a: {  	_ =	strace s4  }
0x9b: {  	s4 =	sld [smem:$0x3FFD];
	_ =	sdelay $0x3  }
0x9c: {  	_ =	strace s4  }
0x9d: {  	_ =	strace $0x8FFFFFFF  }
0x9e: {  	s19 =	sld [smem:$0x3FDB];
	_ =	sdelay $0x1  }
0x9f: {  	s5 =	simm.s32 $_scs_section_size  }
0xa0: {  	s6 =	simm.s32 $_size__tile_overlayer_lowered;
	s7 =	simm.s32 $_tile_overlayer_lowered  }
0xa1: {  	s22 =	simm.s32 $0x1BFF;
	s21 =	sshll.u32 s7, $0x1;
	s4 =	sadd.s32 s5, s19  }
0xa2: {  	s8 =	simm.s32 $0x0;
	s20 =	sshll.u32 s6, $0x1;
	s6 =	sadd.s32 s21, s4  }
0xa3: {  	[timem:s8], [sflag:s22] =	dma.local [hbm:s6], s20  }
0xa4: {  	_ =	swait.ge [sflag:s22], s20  }
0xa5: {  	s5 =	ssub.s32 $0x0, s20;
	[sflag:s22] =	ssyncset.done $0x0  }
0xa6: {  	[sflag:s22] =	ssyncadd.s32 s5;
	_ =	sdelay $0x1  }
0xa7: {  	s23 =	simm.s32 $0x1B8B  }
0xa8: {  	_ =	swait.ge [sflag:s23], $0x1  }
0xa9: {  	[sflag:s23] =	ssyncset.done $0x0  }
0xaa: {  	s25 =	simm.s32 $0x1B8E;
	s24 =	sld [smem:$0x3FFE];
	[sflag:s23] =	ssyncadd.s32 $0xFFFFFFFF  }
0xab: {  	s26 =	simm.s32 $execute0_lowered;
	[smem:$0x3FD2] =	sst s25  }
0xac: {  	s6 =	sshll.u32 s26, $0x1;
	_ =	strace $0x80000046;
	[dreg:$0x1] =	wrdreg $0xFFFFFFFF  }
0xad: {  	s28 =	simm.s32 $_size_execute0_lowered;
	s4 =	sadd.s32 s4, s6;
	[dreg:$0x0] =	wrdreg $0x0  }
0xae: {  	s6 =	sshll.u32 s28, $0x1;
	[dreg:$0x2] =	wrdreg s4  }
0xaf: {  	[dreg:$0x3] =	wrdreg s6  }
0xb0: {  	[dreg:$0x4] =	wrdreg $0xC0  }
0xb1: {  	_ =	task [dreg:s8], $0x5FFFF  }
0xb2: {  	[dreg:$0x1] =	wrdreg $0xFFFFFFFF  }
0xb3: {  	[dreg:$0x0] =	wrdreg $0x60  }
0xb4: {  	[dreg:$0x2] =	wrdreg s17  }
0xb5: {  	[dreg:$0x3] =	wrdreg s16  }
0xb6: {  	[dreg:$0x4] =	wrdreg s24  }
0xb7: {  	[dreg:$0x5] =	wrdreg $0x9  }
0xb8: {  	_ =	task.clear_ibuf [dreg:s8], $0x6FFFF;
	_ =	strace $0x90000046  }
0xb9: {  	s29 =	simm.s32 $0x9;
	_ =	strace $0x80000048  }
0xba: {  	_ =	swait.ge [sflag:s29], $0x1  }
0xbb: {  	[sflag:s29] =	ssyncadd.s32 $0xFFFFFFFF  }
0xbc: {  	_ =	strace $0x90000048  }
0xbd: {  	_ =	sfence  }
0xbe: {  	s30 =	sld [smem:$0x0];
	_ =	sdelay $0x2  }
0xbf: {  	s31 =	sshll.u32 s1, $0xD;
	s1 =	sshrl.u32 s1, $0x2  }
0xc0: {  	s3 =	sand.u32 $0x4000, s31;
	s1 =	sadd.s32 s1, s30  }
0xc1: {  	s0 =	sor.u32 s3, s0;
	s1 =	sshll.u32 s1, $0x11  }
0xc2: {  	s0 =	sor.u32 s1, s0  }
0xc3: {  	s0 =	sadd.s32 $0x8F2B, s0  }
0xc4: {  	[sflag:s0] =	ssyncadd.remote.s32 $0x1  }
0xc5: {  	_ =	sfence.sel $0xFFFF  }
0xc6: {  	[dreg:$0x0] =	wrdreg $0xFFFFFFFF;
	(pc) =	sbr.abs _section_cstart, $3  }
0xc7: {  	[dreg:$0x1] =	wrdreg $0xFFFFFFFF  }
0xc8: {  	_ =	task.clear_ibuf [dreg:s8], $0x2FFFF;
	_ =	strace $0x9FFFFFFF  }
0xc9: {  	(tm) =	ssettm $0x7FFFFFFF  }
tec
execute0_lowered:
.L_overlay_start_1:
0x0: {  	(tag) =	ssettag $0x1  }
0x1: {  	s1 =	rddreg [dreg:$0x0]  }
0x2: {  	s3 =	rddreg [dreg:$0x1]  }
0x3: {  	s9 =	rddreg [dreg:$0x2]  }
0x4: {  	s0 =	rddreg [dreg:$0x3]  }
0x5: {  	s5 =	srdreg.scid;
	s2 =	stileid.u32  }
0x6: {  	s4 =	simm.s32 $0x0;
	s17 =	simm.s32 $0x2;
	s18 =	simm.s32 $0x1388  }
0x7: {  	s19 =	simm.s32 $0x2710;
	s20 =	simm.s32 $0x3A98;
	s21 =	simm.s32 $0x4E20  }
0x8: {  	s22 =	simm.s32 $0x61A8;
	s8 =	sand.u32 $0x1, s5;
	s7 =	smul.u32 $0x30D40, s2  }
0x9: {  	s23 =	simm.s32 $0x7530;
	s24 =	simm.s32 $0x1;
	s10 =	smul.u32 $0x186A0, s8  }
0xa: {  	s25 =	simm.s32 $0x0;
	[smem:$0x7FF] =	sst s4;
	s5 =	sadd.s32 $0x24C200, s9  }
0xb: {  	s6 =	sadd.s32 $0x188C00, s9;
	_ =	strace $0x80000047;
	s10 =	sadd.s32 s10, s7  }
0xc: {  	s11 =	ssub.s32 $0x2, s8;
	s8 =	sadd.s32 $0x2000, s9;
	s10 =	sshrl.u32 s10, $0x3  }
0xd: {  	s31 =	sshrl.u32 s11, $0x1;
	s7 =	sadd.s32 $0xC5600, s9;
	s16 =	sadd.s32 s10, s9  }
0xe: {  	s14 =	ssub.s32 s11, s31;
	s9 =	sadd.s32 $0x4F8400, s16;
	s10 =	sadd.s32 $0x496800, s16  }
0xf: {  	s11 =	sadd.s32 $0x55A000, s16;
	s12 =	sadd.s32 $0x434C00, s16;
	s13 =	sadd.s32 $0x3D3000, s16  }
0x10: {  	s14 =	smax.u32 s14, $0x1;
	s15 =	sadd.s32 $0x371400, s16;
	s16 =	sadd.s32 $0x30F800, s16  }
.LBB2_1:
0x11: {  	s26 =	sadd.s32 $0x0, s16  }
0x12: {  	[tilespmem:s4], [sflag:$0x2] =	stream.linear.gather [hbm4b:s26+s4], $0x1388, $0x38;
	[tilespmem:$0x88B8] =	vst v63  }
0x13: {  	_ =	swait.ge [sflag:s17], $0x1388  }
0x14: {  	[sflag:s17] =	ssyncset.done $0x0  }
0x15: {  	[sflag:s17] =	ssyncadd.s32 $0xFFFFEC78  }
0x16: {  	[tilespmem:s18], [sflag:$0x1] =	stream.indirect.gather [hbm4b:s1+s18], $0x1, s4, s18, $0xb8;
	[tilespmem:$0x88B8] =	vst v63  }
0x17: {  	_ = 	snop  }
0x18: {  	[tilespmem:s19], [sflag:$0x1] =	stream.indirect.gather [hbm4b:s3+s18], $0x1, s4, s18, $0xb8;
	[tilespmem:$0x88B8] =	vst v63  }
0x19: {  	_ = 	snop  }
0x1a: {  	[tilespmem:s20], [sflag:$0x1] =	stream.indirect.gather [hbm4b:s5+s18], $0x1, s4, s18, $0xb8;
	[tilespmem:$0x88B8] =	vst v63  }
0x1b: {  	_ = 	snop  }
0x1c: {  	[tilespmem:s21], [sflag:$0x1] =	stream.indirect.gather [hbm4b:s6+s18], $0x1, s4, s18, $0xb8;
	[tilespmem:$0x88B8] =	vst v63  }
0x1d: {  	_ = 	snop  }
0x1e: {  	[tilespmem:s22], [sflag:$0x1] =	stream.indirect.gather [hbm4b:s7+s18], $0x1, s4, s18, $0xb8;
	[tilespmem:$0x88B8] =	vst v63  }
0x1f: {  	_ = 	snop  }
0x20: {  	[tilespmem:s23], [sflag:$0x1] =	stream.indirect.gather [hbm4b:s8+s18], $0x1, s4, s18, $0xb8;
	[tilespmem:$0x88B8] =	vst v63  }
0x21: {  	_ =	swait.ge [sflag:s24], $0x1388  }
0x22: {  	[sflag:s24] =	ssyncset.done $0x0  }
0x23: {  	[sflag:s24] =	ssyncadd.s32 $0xFFFFEC78  }
0x24: {  	_ =	swait.ge [sflag:s24], $0x1388  }
0x25: {  	[sflag:s24] =	ssyncset.done $0x0  }
0x26: {  	[sflag:s24] =	ssyncadd.s32 $0xFFFFEC78  }
0x27: {  	_ =	swait.ge [sflag:s24], $0x1388  }
0x28: {  	[sflag:s24] =	ssyncset.done $0x0  }
0x29: {  	[sflag:s24] =	ssyncadd.s32 $0xFFFFEC78  }
0x2a: {  	_ =	swait.ge [sflag:s24], $0x1388  }
0x2b: {  	[sflag:s24] =	ssyncset.done $0x0  }
0x2c: {  	[sflag:s24] =	ssyncadd.s32 $0xFFFFEC78  }
0x2d: {  	_ =	swait.ge [sflag:s24], $0x1388  }
0x2e: {  	[sflag:s24] =	ssyncset.done $0x0  }
0x2f: {  	[sflag:s24] =	ssyncadd.s32 $0xFFFFEC78  }
0x30: {  	_ =	swait.ge [sflag:s24], $0x1388  }
0x31: {  	[sflag:s24] =	ssyncset.done $0x0  }
0x32: {  	s28 =	sadd.s32 $0x0, s15;
	[sflag:s24] =	ssyncadd.s32 $0xFFFFEC78  }
0x33: {  	[hbm4b:s28+s4] =	stream.linear.scatter [tilespmem:s18], [sflag:$0x2], $0x1388, $0x38;
	[tilespmem:$0x88B8] =	vst v63  }
0x34: {  	_ =	swait.ge [sflag:s17], $0x1388  }
0x35: {  	[sflag:s17] =	ssyncset.done $0x0  }
0x36: {  	s29 =	sadd.s32 $0x0, s13;
	[sflag:s17] =	ssyncadd.s32 $0xFFFFEC78  }
0x37: {  	[hbm4b:s29+s4] =	stream.linear.scatter [tilespmem:s19], [sflag:$0x2], $0x1388, $0x38;
	[tilespmem:$0x88B8] =	vst v63  }
0x38: {  	_ =	swait.ge [sflag:s17], $0x1388  }
0x39: {  	[sflag:s17] =	ssyncset.done $0x0  }
0x3a: {  	s31 =	sadd.s32 $0x0, s12;
	[sflag:s17] =	ssyncadd.s32 $0xFFFFEC78  }
0x3b: {  	[hbm4b:s31+s4] =	stream.linear.scatter [tilespmem:s20], [sflag:$0x2], $0x1388, $0x38;
	[tilespmem:$0x88B8] =	vst v63  }
0x3c: {  	_ =	swait.ge [sflag:s17], $0x1388  }
0x3d: {  	[sflag:s17] =	ssyncset.done $0x0  }
0x3e: {  	s28 =	sadd.s32 $0x0, s10;
	[sflag:s17] =	ssyncadd.s32 $0xFFFFEC78  }
0x3f: {  	[hbm4b:s28+s4] =	stream.linear.scatter [tilespmem:s21], [sflag:$0x2], $0x1388, $0x38;
	[tilespmem:$0x88B8] =	vst v63  }
0x40: {  	_ =	swait.ge [sflag:s17], $0x1388  }
0x41: {  	[sflag:s17] =	ssyncset.done $0x0  }
0x42: {  	s29 =	sadd.s32 $0x0, s9;
	[sflag:s17] =	ssyncadd.s32 $0xFFFFEC78  }
0x43: {  	[hbm4b:s29+s4] =	stream.linear.scatter [tilespmem:s22], [sflag:$0x2], $0x1388, $0x38;
	[tilespmem:$0x88B8] =	vst v63  }
0x44: {  	_ =	swait.ge [sflag:s17], $0x1388  }
0x45: {  	[sflag:s17] =	ssyncset.done $0x0  }
0x46: {  	s31 =	sadd.s32 $0x0, s11;
	[sflag:s17] =	ssyncadd.s32 $0xFFFFEC78  }
0x47: {  	[hbm4b:s31+s4] =	stream.linear.scatter [tilespmem:s23], [sflag:$0x2], $0x1388, $0x38;
	[tilespmem:$0x88B8] =	vst v63  }
0x48: {  	_ =	swait.ge [sflag:s17], $0x1388  }
0x49: {  	s30 =	simm.s32 $0x4E2;
	s26 =	simm.s32 $0x271;
	[sflag:s17] =	ssyncset.done $0x0  }
.LBB2_2:
0x4a: {  	s31 =	sadd.s32 s26, s16  }
0x4b: {  	[sflag:s17] =	ssyncadd.s32 $0xFFFFEC78;
	s29 =	smov.u32 s30;
	s28 =	sadd.s32 $0x271, s30  }
0x4c: {  	[tilespmem:s4], [sflag:$0x2] =	stream.linear.gather [hbm4b:s31+s4], $0x1388, $0x38;
	[tilespmem:$0x88B8] =	vst v63  }
0x4d: {  	p0 =	sne.s32 s30, $0x2E63;
	_ =	swait.ge [sflag:s17], $0x1388  }
0x4e: {  	[sflag:s17] =	ssyncset.done $0x0  }
0x4f: {  	[sflag:s17] =	ssyncadd.s32 $0xFFFFEC78  }
0x50: {  	[tilespmem:s18], [sflag:$0x1] =	stream.indirect.gather [hbm4b:s1+s18], $0x1, s4, s18, $0xb8;
	[tilespmem:$0x88B8] =	vst v63  }
0x51: {  	_ = 	snop  }
0x52: {  	[tilespmem:s19], [sflag:$0x1] =	stream.indirect.gather [hbm4b:s3+s18], $0x1, s4, s18, $0xb8;
	[tilespmem:$0x88B8] =	vst v63  }
0x53: {  	_ = 	snop  }
0x54: {  	[tilespmem:s20], [sflag:$0x1] =	stream.indirect.gather [hbm4b:s5+s18], $0x1, s4, s18, $0xb8;
	[tilespmem:$0x88B8] =	vst v63  }
0x55: {  	_ = 	snop  }
0x56: {  	[tilespmem:s21], [sflag:$0x1] =	stream.indirect.gather [hbm4b:s6+s18], $0x1, s4, s18, $0xb8;
	[tilespmem:$0x88B8] =	vst v63  }
0x57: {  	_ = 	snop  }
0x58: {  	[tilespmem:s22], [sflag:$0x1] =	stream.indirect.gather [hbm4b:s7+s18], $0x1, s4, s18, $0xb8;
	[tilespmem:$0x88B8] =	vst v63  }
0x59: {  	_ = 	snop  }
0x5a: {  	[tilespmem:s23], [sflag:$0x1] =	stream.indirect.gather [hbm4b:s8+s18], $0x1, s4, s18, $0xb8;
	[tilespmem:$0x88B8] =	vst v63  }
0x5b: {  	_ =	swait.ge [sflag:s24], $0x1388  }
0x5c: {  	[sflag:s24] =	ssyncset.done $0x0  }
0x5d: {  	[sflag:s24] =	ssyncadd.s32 $0xFFFFEC78  }
0x5e: {  	_ =	swait.ge [sflag:s24], $0x1388  }
0x5f: {  	[sflag:s24] =	ssyncset.done $0x0  }
0x60: {  	[sflag:s24] =	ssyncadd.s32 $0xFFFFEC78  }
0x61: {  	_ =	swait.ge [sflag:s24], $0x1388  }
0x62: {  	[sflag:s24] =	ssyncset.done $0x0  }
0x63: {  	[sflag:s24] =	ssyncadd.s32 $0xFFFFEC78  }
0x64: {  	_ =	swait.ge [sflag:s24], $0x1388  }
0x65: {  	[sflag:s24] =	ssyncset.done $0x0  }
0x66: {  	[sflag:s24] =	ssyncadd.s32 $0xFFFFEC78  }
0x67: {  	_ =	swait.ge [sflag:s24], $0x1388  }
0x68: {  	[sflag:s24] =	ssyncset.done $0x0  }
0x69: {  	[sflag:s24] =	ssyncadd.s32 $0xFFFFEC78  }
0x6a: {  	_ =	swait.ge [sflag:s24], $0x1388  }
0x6b: {  	[sflag:s24] =	ssyncset.done $0x0  }
0x6c: {  	s30 =	sadd.s32 s26, s15;
	[sflag:s24] =	ssyncadd.s32 $0xFFFFEC78  }
0x6d: {  	[hbm4b:s30+s4] =	stream.linear.scatter [tilespmem:s18], [sflag:$0x2], $0x1388, $0x38;
	[tilespmem:$0x88B8] =	vst v63  }
0x6e: {  	_ =	swait.ge [sflag:s17], $0x1388  }
0x6f: {  	[sflag:s17] =	ssyncset.done $0x0  }
0x70: {  	s30 =	sadd.s32 s26, s13;
	[sflag:s17] =	ssyncadd.s32 $0xFFFFEC78  }
0x71: {  	[hbm4b:s30+s4] =	stream.linear.scatter [tilespmem:s19], [sflag:$0x2], $0x1388, $0x38;
	[tilespmem:$0x88B8] =	vst v63  }
0x72: {  	_ =	swait.ge [sflag:s17], $0x1388  }
0x73: {  	[sflag:s17] =	ssyncset.done $0x0  }
0x74: {  	s30 =	sadd.s32 s26, s12;
	[sflag:s17] =	ssyncadd.s32 $0xFFFFEC78  }
0x75: {  	[hbm4b:s30+s4] =	stream.linear.scatter [tilespmem:s20], [sflag:$0x2], $0x1388, $0x38;
	[tilespmem:$0x88B8] =	vst v63  }
0x76: {  	_ =	swait.ge [sflag:s17], $0x1388  }
0x77: {  	[sflag:s17] =	ssyncset.done $0x0  }
0x78: {  	s30 =	sadd.s32 s26, s10;
	[sflag:s17] =	ssyncadd.s32 $0xFFFFEC78  }
0x79: {  	[hbm4b:s30+s4] =	stream.linear.scatter [tilespmem:s21], [sflag:$0x2], $0x1388, $0x38;
	[tilespmem:$0x88B8] =	vst v63  }
0x7a: {  	_ =	swait.ge [sflag:s17], $0x1388  }
0x7b: {  	[sflag:s17] =	ssyncset.done $0x0  }
0x7c: {  	s30 =	sadd.s32 s26, s9;
	[sflag:s17] =	ssyncadd.s32 $0xFFFFEC78  }
0x7d: {  	[hbm4b:s30+s4] =	stream.linear.scatter [tilespmem:s22], [sflag:$0x2], $0x1388, $0x38;
	[tilespmem:$0x88B8] =	vst v63  }
0x7e: {  	_ =	swait.ge [sflag:s17], $0x1388  }
.Ltmp0:
0x7f: {  	[sflag:s17] =	ssyncset.done $0x0;
	(pc) =	sbr.rel @p0 .LBB2_2-.Ltmp0, $4  }
0x80: {  	s30 =	sadd.s32 s26, s11;
	s26 =	smov.u32 s29;
	[sflag:s17] =	ssyncadd.s32 $0xFFFFEC78  }
0x81: {  	[hbm4b:s30+s4] =	stream.linear.scatter [tilespmem:s23], [sflag:$0x2], $0x1388, $0x38;
	[tilespmem:$0x88B8] =	vst v63  }
0x82: {  	_ =	swait.ge [sflag:s17], $0x1388  }
0x83: {  	s30 =	smov.u32 s28;
	[sflag:s17] =	ssyncset.done $0x0  }
0x84: {  	s28 =	sadd.s32 s26, s16;
	[sflag:s17] =	ssyncadd.s32 $0xFFFFEC78  }
0x85: {  	[tilespmem:s4], [sflag:$0x2] =	stream.linear.gather [hbm4b:s28+s4], $0x1388, $0x38;
	[tilespmem:$0x88B8] =	vst v63  }
0x86: {  	_ =	swait.ge [sflag:s17], $0x1388  }
0x87: {  	[sflag:s17] =	ssyncset.done $0x0  }
0x88: {  	[sflag:s17] =	ssyncadd.s32 $0xFFFFEC78  }
0x89: {  	[tilespmem:s18], [sflag:$0x1] =	stream.indirect.gather [hbm4b:s1+s18], $0x1, s4, s18, $0xb8;
	[tilespmem:$0x88B8] =	vst v63  }
0x8a: {  	_ = 	snop  }
0x8b: {  	[tilespmem:s19], [sflag:$0x1] =	stream.indirect.gather [hbm4b:s3+s18], $0x1, s4, s18, $0xb8;
	[tilespmem:$0x88B8] =	vst v63  }
0x8c: {  	_ = 	snop  }
0x8d: {  	[tilespmem:s20], [sflag:$0x1] =	stream.indirect.gather [hbm4b:s5+s18], $0x1, s4, s18, $0xb8;
	[tilespmem:$0x88B8] =	vst v63  }
0x8e: {  	_ = 	snop  }
0x8f: {  	[tilespmem:s21], [sflag:$0x1] =	stream.indirect.gather [hbm4b:s6+s18], $0x1, s4, s18, $0xb8;
	[tilespmem:$0x88B8] =	vst v63  }
0x90: {  	_ = 	snop  }
0x91: {  	[tilespmem:s22], [sflag:$0x1] =	stream.indirect.gather [hbm4b:s7+s18], $0x1, s4, s18, $0xb8;
	[tilespmem:$0x88B8] =	vst v63  }
0x92: {  	_ = 	snop  }
0x93: {  	[tilespmem:s23], [sflag:$0x1] =	stream.indirect.gather [hbm4b:s8+s18], $0x1, s4, s18, $0xb8;
	[tilespmem:$0x88B8] =	vst v63  }
0x94: {  	_ =	swait.ge [sflag:s24], $0x1388  }
0x95: {  	[sflag:s24] =	ssyncset.done $0x0  }
0x96: {  	[sflag:s24] =	ssyncadd.s32 $0xFFFFEC78  }
0x97: {  	_ =	swait.ge [sflag:s24], $0x1388  }
0x98: {  	[sflag:s24] =	ssyncset.done $0x0  }
0x99: {  	[sflag:s24] =	ssyncadd.s32 $0xFFFFEC78  }
0x9a: {  	_ =	swait.ge [sflag:s24], $0x1388  }
0x9b: {  	[sflag:s24] =	ssyncset.done $0x0  }
0x9c: {  	[sflag:s24] =	ssyncadd.s32 $0xFFFFEC78  }
0x9d: {  	_ =	swait.ge [sflag:s24], $0x1388  }
0x9e: {  	[sflag:s24] =	ssyncset.done $0x0  }
0x9f: {  	[sflag:s24] =	ssyncadd.s32 $0xFFFFEC78  }
0xa0: {  	_ =	swait.ge [sflag:s24], $0x1388  }
0xa1: {  	[sflag:s24] =	ssyncset.done $0x0  }
0xa2: {  	[sflag:s24] =	ssyncadd.s32 $0xFFFFEC78  }
0xa3: {  	_ =	swait.ge [sflag:s24], $0x1388  }
0xa4: {  	[sflag:s24] =	ssyncset.done $0x0  }
0xa5: {  	s29 =	sadd.s32 s26, s15;
	[sflag:s24] =	ssyncadd.s32 $0xFFFFEC78  }
0xa6: {  	[hbm4b:s29+s4] =	stream.linear.scatter [tilespmem:s18], [sflag:$0x2], $0x1388, $0x38;
	[tilespmem:$0x88B8] =	vst v63  }
0xa7: {  	_ =	swait.ge [sflag:s17], $0x1388  }
0xa8: {  	[sflag:s17] =	ssyncset.done $0x0  }
0xa9: {  	s30 =	sadd.s32 s26, s13;
	[sflag:s17] =	ssyncadd.s32 $0xFFFFEC78  }
0xaa: {  	[hbm4b:s30+s4] =	stream.linear.scatter [tilespmem:s19], [sflag:$0x2], $0x1388, $0x38;
	[tilespmem:$0x88B8] =	vst v63  }
0xab: {  	_ =	swait.ge [sflag:s17], $0x1388  }
0xac: {  	[sflag:s17] =	ssyncset.done $0x0  }
0xad: {  	s31 =	sadd.s32 s26, s12;
	[sflag:s17] =	ssyncadd.s32 $0xFFFFEC78  }
0xae: {  	[hbm4b:s31+s4] =	stream.linear.scatter [tilespmem:s20], [sflag:$0x2], $0x1388, $0x38;
	[tilespmem:$0x88B8] =	vst v63  }
0xaf: {  	_ =	swait.ge [sflag:s17], $0x1388  }
0xb0: {  	[sflag:s17] =	ssyncset.done $0x0  }
0xb1: {  	s29 =	sadd.s32 s26, s10;
	[sflag:s17] =	ssyncadd.s32 $0xFFFFEC78  }
0xb2: {  	[hbm4b:s29+s4] =	stream.linear.scatter [tilespmem:s21], [sflag:$0x2], $0x1388, $0x38;
	[tilespmem:$0x88B8] =	vst v63  }
0xb3: {  	_ =	swait.ge [sflag:s17], $0x1388  }
0xb4: {  	[sflag:s17] =	ssyncset.done $0x0  }
0xb5: {  	s30 =	sadd.s32 s26, s9;
	[sflag:s17] =	ssyncadd.s32 $0xFFFFEC78  }
0xb6: {  	[hbm4b:s30+s4] =	stream.linear.scatter [tilespmem:s22], [sflag:$0x2], $0x1388, $0x38;
	[tilespmem:$0x88B8] =	vst v63  }
0xb7: {  	s25 =	sadd.s32 $0x1, s25;
	_ =	swait.ge [sflag:s17], $0x1388  }
0xb8: {  	p0 =	sne.s32 s25, s14;
	[sflag:s17] =	ssyncset.done $0x0  }
.Ltmp1:
0xb9: {  	s31 =	sadd.s32 s26, s11;
	[sflag:s17] =	ssyncadd.s32 $0xFFFFEC78;
	(pc) =	sbr.rel @p0 .LBB2_1-.Ltmp1, $4  }
0xba: {  	[hbm4b:s31+s4] =	stream.linear.scatter [tilespmem:s23], [sflag:$0x2], $0x1388, $0x38;
	[tilespmem:$0x88B8] =	vst v63  }
0xbb: {  	_ =	swait.ge [sflag:s17], $0x1388  }
0xbc: {  	[sflag:s17] =	ssyncset.done $0x0  }
0xbd: {  	[sflag:s17] =	ssyncadd.s32 $0xFFFFEC78  }
0xbe: {  	_ =	sfence.sel $0x180000  }
0xbf: {  	[bflag:$0x0] =	sbarrier.arrive $0xFFFF  }
0xc0: {  	p0 =	sne.s32 s2, $0x0;
	_ =	strace $0x90000047  }
0xc1: {  	s0 =	sadd.s32 @!p0 $0x100000, s0;
	[bflag:$0x2] =	sbarrier.arrive $0xFFFF  }
0xc2: {  	[sflag:s0] =	ssyncadd.tile.s32 @!p0 $0x1;
	_ =	shalt  }
.Lfunc_end2:
_tile_overlayer_lowered:
.L_overlay_start_2:
0xc3: {  	(tag) =	ssettag $0x2  }
0xc4: {  	s0 =	rddreg [dreg:$0x0];
	s2 =	stileid.u32  }
0xc5: {  	s1 =	rddreg [dreg:$0x1];
	p0 =	sne.s32 s2, $0x0  }
0xc6: {  	s3 =	rddreg [dreg:$0x2];
	[bflag:$0x3] =	sbarrier.arrive $0xFFFF;
	s2 =	simm.s32 @!p0 $0x1C02  }
0xc7: {  	[timem:s3], [sflag:s2] =	dma.local @!p0 [hbm:s0], s1  }
0xc8: {  	s0 =	simm.s32 @!p0 $0x2  }
0xc9: {  	_ =	swait.ge @!p0 [sflag:s0], s1  }
0xca: {  	s1 =	ssub.s32 @!p0 $0x0, s1;
	[sflag:s0] =	ssyncset.done @!p0 $0x0  }
0xcb: {  	[sflag:s0] =	ssyncadd.s32 @!p0 s1  }
0xcc: {  	[bflag:$0x3] =	sbarrier.arrive $0xFFFF  }
0xcd: {  	_ =	shalt  }

</sc_bundles>
